<compile_context>
chip_gen: v7x
topology: tpu7x:2x2x1
jax: 0.10.2.dev20260603
libtpu: 0.0.44.dev20260713+nightly
codegen_flags: <defaults>
</compile_context>

<pallas_src>
import functools

import jax
import jax.numpy as jnp
from jax import lax
from jax.experimental import pallas as pl
from jax.experimental.pallas import tpu as pltpu
from jax.experimental.pallas import tpu_sc as plsc

VOCAB = 1000000
B = 1024
L = 200
EMB = 64
N = B * L
NC, NS = 2, 16
NW = NC * NS
CHUNK = 128
NCH = N // CHUNK // NW
NBUF = 5
AHEAD = 3
PADW = 128


@functools.partial(
    pl.kernel,
    out_type=jax.ShapeDtypeStruct((N, PADW), jnp.float32),
    mesh=plsc.VectorSubcoreMesh(core_axis_name="c", subcore_axis_name="s"),
    compiler_params=pltpu.CompilerParams(use_tc_tiling_on_sc=False),
    scratch_types=(
        [pltpu.VMEM((NCH, CHUNK), jnp.int32)]
        + [pltpu.VMEM((CHUNK, PADW), jnp.float32) for _ in range(NBUF)]
        + [pltpu.SemaphoreType.DMA for _ in range(2 * NBUF)]
    ),
)
def _emb_gather(idx_hbm, table_hbm, out_hbm, *refs):
    idx_v = refs[0]
    rows = refs[1:1 + NBUF]
    sem_g = refs[1 + NBUF:1 + 2 * NBUF]
    sem_w = refs[1 + 2 * NBUF:1 + 3 * NBUF]

    wid = lax.axis_index("s") * NC + lax.axis_index("c")
    pltpu.sync_copy(idx_hbm.at[wid], idx_v)
    gbase = wid * NCH

    for b in range(AHEAD):
        pltpu.async_copy(table_hbm.at[idx_v.at[b]], rows[b], sem_g[b])

    def outer(t, carry):
        for b in range(NBUF):
            c = t * NBUF + b
            pltpu.make_async_copy(
                table_hbm.at[idx_v.at[c]], rows[b], sem_g[b]
            ).wait()
            pltpu.async_copy(
                rows[b], out_hbm.at[pl.ds((gbase + c) * CHUNK, CHUNK)],
                sem_w[b],
            )

            bn = (b + AHEAD) % NBUF
            cn = c + AHEAD

            @pl.when(cn < NCH)
            def _issue(bn=bn, cn=cn):
                @pl.when(cn >= NBUF)
                def _drain():
                    pltpu.make_async_copy(
                        rows[bn], out_hbm.at[pl.ds(0, CHUNK)], sem_w[bn]
                    ).wait()

                pltpu.async_copy(
                    table_hbm.at[idx_v.at[cn]], rows[bn], sem_g[bn]
                )

        return carry

    lax.fori_loop(0, NCH // NBUF, outer, 0)
    for b in range(NBUF):
        pltpu.make_async_copy(
            rows[b], out_hbm.at[pl.ds(0, CHUNK)], sem_w[b]
        ).wait()


_PBLK = 1000


def _pad_block(t_ref, o_ref):
    o_ref[:, :EMB] = t_ref[...]
    o_ref[:, EMB:] = jnp.zeros((_PBLK, PADW - EMB), jnp.float32)


def _pad_table_tc(table):
    return pl.pallas_call(
        _pad_block,
        grid=(VOCAB // _PBLK,),
        in_specs=[pl.BlockSpec((_PBLK, EMB), lambda i: (i, 0))],
        out_specs=pl.BlockSpec((_PBLK, PADW), lambda i: (i, 0)),
        out_shape=jax.ShapeDtypeStruct((VOCAB, PADW), jnp.float32),
    )(table)


def kernel(x, table, pos_emb):
    idx = x.astype(jnp.int32).reshape(NW, NCH, CHUNK)
    tpad = _pad_table_tc(table)
    out = _emb_gather(idx, tpad)
    return out[:, :EMB].reshape(B, L, EMB) + pos_emb

# --- scband reference (transcript-rebuilt; emitter-appended) ---
"""Pipeline reference for scband-embedding-85925115724430 (READ-ONLY COPY).

The authoritative reference and input builder live on the scoring server;
editing this copy changes nothing except your own understanding.
"""

import jax, jax.numpy as jnp
import numpy as np

VOCAB = 1000000
EMB = 64
B = 1024
L = 200


def setup_inputs(seed: int = 0) -> dict:
    key = jax.random.key(seed)
    k1, k2, k3 = jax.random.split(key, 3)
    # forward input: token indices
    x = jax.random.randint(k1, (B, L), 0, VOCAB)
    # learned params sized per init_kwargs
    table = jax.random.normal(k2, (VOCAB, EMB), dtype=jnp.float32) * 0.02
    pos_emb = jax.random.normal(k3, (1, L, EMB), dtype=jnp.float32)
    return {"x": x, "table": table, "pos_emb": pos_emb}


def reference(x, table, pos_emb):
    # token_emb: nn.Embedding lookup -> gather rows of table
    out = jnp.take(table, x, axis=0)  # (B, L, EMB)
    # pos_emb added to the first pos_dim dims; pos_dim == emb_dim here so full add.
    # (cls_token disabled, patching disabled, dropout p=0.0 -> identity)
    out = out + pos_emb  # broadcast (1, L, EMB) over batch
    return out

if __name__ == "__main__":
    import jax
    _d = setup_inputs()
    print(jax.jit(kernel)(*tuple(_d.values())))

</pallas_src>

<mosaic_0001>
#map = affine_map<(d0, d1) -> (0, 0, 0)>
#map1 = affine_map<(d0, d1) -> (0, 0)>
module attributes {stable_mosaic.version = 14 : i64} {
  func.func @_emb_gather(%arg0: i32, %arg1: i32, %arg2: memref<32x50x128xi32, #tpu.memory_space<hbm>>, %arg3: memref<1000000x128xf32, #tpu.memory_space<hbm>>, %arg4: memref<204800x128xf32, #tpu.memory_space<hbm>>, %arg5: memref<50x128xi32, #tpu.memory_space<vmem>>, %arg6: memref<128x128xf32, #tpu.memory_space<vmem>>, %arg7: memref<128x128xf32, #tpu.memory_space<vmem>>, %arg8: memref<128x128xf32, #tpu.memory_space<vmem>>, %arg9: memref<128x128xf32, #tpu.memory_space<vmem>>, %arg10: memref<128x128xf32, #tpu.memory_space<vmem>>, %arg11: memref<!tpu.dma_semaphore, #tpu.memory_space<semaphore_mem>>, %arg12: memref<!tpu.dma_semaphore, #tpu.memory_space<semaphore_mem>>, %arg13: memref<!tpu.dma_semaphore, #tpu.memory_space<semaphore_mem>>, %arg14: memref<!tpu.dma_semaphore, #tpu.memory_space<semaphore_mem>>, %arg15: memref<!tpu.dma_semaphore, #tpu.memory_space<semaphore_mem>>, %arg16: memref<!tpu.dma_semaphore, #tpu.memory_space<semaphore_mem>>, %arg17: memref<!tpu.dma_semaphore, #tpu.memory_space<semaphore_mem>>, %arg18: memref<!tpu.dma_semaphore, #tpu.memory_space<semaphore_mem>>, %arg19: memref<!tpu.dma_semaphore, #tpu.memory_space<semaphore_mem>>, %arg20: memref<!tpu.dma_semaphore, #tpu.memory_space<semaphore_mem>>) attributes {dimension_semantics = [#tpu.dimension_semantics<core_parallel>, #tpu.dimension_semantics<subcore_parallel>], iteration_bounds = array<i64: 2, 16>, scalar_prefetch = 0 : i64, scratch_operands = 16 : i64, tpu.core_type = #tpu.core_type<sc_vector_subcore>, window_params = [{transform_indices = #map}, {transform_indices = #map1}, {transform_indices = #map1}]} {
    %mul3A = arith.constant 2 : i32
    %mul3A_0 = arith.muli %arg1, %mul3A : i32
    %add3A = arith.addi %mul3A_0, %arg0 : i32
    "tpu.region"() ({
      %run_scoped3A = tpu.sem_alloc : memref<!tpu.dma_semaphore, #tpu.memory_space<semaphore_mem>>
      %dma_start3A_57 = arith.constant 0 : i32
      %dma_start3A_58 = arith.constant 0 : i32
      %dma_start3A_59 = tpu.memref_slice %arg2[%add3A, %dma_start3A_57, %dma_start3A_58] : memref<32x50x128xi32, #tpu.memory_space<hbm>> -> memref<1x50x128xi32, #tpu.memory_space<hbm>>
      %dma_start3A_60 = tpu.memref_squeeze %dma_start3A_59 : memref<1x50x128xi32, #tpu.memory_space<hbm>> -> memref<50x128xi32, #tpu.memory_space<hbm>>
      %dma_start3A_61 = arith.constant 0 : i32
      %dma_start3A_62 = arith.constant 0 : i32
      %dma_start3A_63 = tpu.memref_slice %arg2[%add3A, %dma_start3A_61, %dma_start3A_62] : memref<32x50x128xi32, #tpu.memory_space<hbm>> -> memref<1x50x128xi32, #tpu.memory_space<hbm>>
      %dma_start3A_64 = tpu.memref_squeeze %dma_start3A_63 : memref<1x50x128xi32, #tpu.memory_space<hbm>> -> memref<50x128xi32, #tpu.memory_space<hbm>>
      tpu.enqueue_dma source(%dma_start3A_64 : memref<50x128xi32, #tpu.memory_space<hbm>>) target(%arg5 : memref<50x128xi32, #tpu.memory_space<vmem>>) target_semaphore(%run_scoped3A : memref<!tpu.dma_semaphore, #tpu.memory_space<semaphore_mem>>)
      %dma_wait3A_65 = arith.constant 0 : i32
      %dma_wait3A_66 = arith.constant 0 : i32
      %dma_wait3A_67 = tpu.memref_slice %arg2[%add3A, %dma_wait3A_65, %dma_wait3A_66] : memref<32x50x128xi32, #tpu.memory_space<hbm>> -> memref<1x50x128xi32, #tpu.memory_space<hbm>>
      %dma_wait3A_68 = tpu.memref_squeeze %dma_wait3A_67 : memref<1x50x128xi32, #tpu.memory_space<hbm>> -> memref<50x128xi32, #tpu.memory_space<hbm>>
      %dma_wait3A_69 = arith.constant 0 : i32
      %dma_wait3A_70 = arith.constant 0 : i32
      %dma_wait3A_71 = tpu.memref_slice %arg2[%add3A, %dma_wait3A_69, %dma_wait3A_70] : memref<32x50x128xi32, #tpu.memory_space<hbm>> -> memref<1x50x128xi32, #tpu.memory_space<hbm>>
      %dma_wait3A_72 = tpu.memref_squeeze %dma_wait3A_71 : memref<1x50x128xi32, #tpu.memory_space<hbm>> -> memref<50x128xi32, #tpu.memory_space<hbm>>
      tpu.wait_dma2 semaphore(%run_scoped3A : memref<!tpu.dma_semaphore, #tpu.memory_space<semaphore_mem>>) src(%dma_wait3A_72 : memref<50x128xi32, #tpu.memory_space<hbm>>) dst(%arg5 : memref<50x128xi32, #tpu.memory_space<vmem>>)
      tpu.yield
    }) : () -> ()
    %mul3A_1 = arith.constant 50 : i32
    %mul3A_2 = arith.muli %add3A, %mul3A_1 : i32
    %dma_start3A = arith.constant 0 : i32
    %dma_start3A_3 = arith.constant 0 : i32
    %dma_start3A_4 = tpu.memref_slice %arg5[%dma_start3A, %dma_start3A_3] : memref<50x128xi32, #tpu.memory_space<vmem>> -> memref<1x128xi32, #tpu.memory_space<vmem>>
    %dma_start3A_5 = tpu.memref_squeeze %dma_start3A_4 : memref<1x128xi32, #tpu.memory_space<vmem>> -> memref<128xi32, #tpu.memory_space<vmem>>
    %dma_start3A_6 = arith.constant 0 : i32
    %dma_start3A_7 = arith.constant 0 : i32
    %dma_start3A_8 = tpu.memref_slice %arg3[%dma_start3A_6, %dma_start3A_7] : memref<1000000x128xf32, #tpu.memory_space<hbm>> -> memref<1000000x128xf32, #tpu.memory_space<hbm>>
    tpu.enqueue_indirect_dma source(%dma_start3A_8 : memref<1000000x128xf32, #tpu.memory_space<hbm>>) target(%arg6 : memref<128x128xf32, #tpu.memory_space<vmem>>) offsets(%dma_start3A_5 : memref<128xi32, #tpu.memory_space<vmem>>) semaphore(%arg11 : memref<!tpu.dma_semaphore, #tpu.memory_space<semaphore_mem>>)
    %dma_start3A_9 = arith.constant 1 : i32
    %dma_start3A_10 = arith.constant 0 : i32
    %dma_start3A_11 = tpu.memref_slice %arg5[%dma_start3A_9, %dma_start3A_10] : memref<50x128xi32, #tpu.memory_space<vmem>> -> memref<1x128xi32, #tpu.memory_space<vmem>>
    %dma_start3A_12 = tpu.memref_squeeze %dma_start3A_11 : memref<1x128xi32, #tpu.memory_space<vmem>> -> memref<128xi32, #tpu.memory_space<vmem>>
    %dma_start3A_13 = arith.constant 0 : i32
    %dma_start3A_14 = arith.constant 0 : i32
    %dma_start3A_15 = tpu.memref_slice %arg3[%dma_start3A_13, %dma_start3A_14] : memref<1000000x128xf32, #tpu.memory_space<hbm>> -> memref<1000000x128xf32, #tpu.memory_space<hbm>>
    tpu.enqueue_indirect_dma source(%dma_start3A_15 : memref<1000000x128xf32, #tpu.memory_space<hbm>>) target(%arg7 : memref<128x128xf32, #tpu.memory_space<vmem>>) offsets(%dma_start3A_12 : memref<128xi32, #tpu.memory_space<vmem>>) semaphore(%arg12 : memref<!tpu.dma_semaphore, #tpu.memory_space<semaphore_mem>>)
    %dma_start3A_16 = arith.constant 2 : i32
    %dma_start3A_17 = arith.constant 0 : i32
    %dma_start3A_18 = tpu.memref_slice %arg5[%dma_start3A_16, %dma_start3A_17] : memref<50x128xi32, #tpu.memory_space<vmem>> -> memref<1x128xi32, #tpu.memory_space<vmem>>
    %dma_start3A_19 = tpu.memref_squeeze %dma_start3A_18 : memref<1x128xi32, #tpu.memory_space<vmem>> -> memref<128xi32, #tpu.memory_space<vmem>>
    %dma_start3A_20 = arith.constant 0 : i32
    %dma_start3A_21 = arith.constant 0 : i32
    %dma_start3A_22 = tpu.memref_slice %arg3[%dma_start3A_20, %dma_start3A_21] : memref<1000000x128xf32, #tpu.memory_space<hbm>> -> memref<1000000x128xf32, #tpu.memory_space<hbm>>
    tpu.enqueue_indirect_dma source(%dma_start3A_22 : memref<1000000x128xf32, #tpu.memory_space<hbm>>) target(%arg8 : memref<128x128xf32, #tpu.memory_space<vmem>>) offsets(%dma_start3A_19 : memref<128xi32, #tpu.memory_space<vmem>>) semaphore(%arg13 : memref<!tpu.dma_semaphore, #tpu.memory_space<semaphore_mem>>)
    %scan3A = arith.constant 0 : i32
    %scan3A_23 = arith.constant 0 : i32
    %scan3A_24 = arith.constant 10 : i32
    %scan3A_25 = arith.addi %scan3A_23, %scan3A_24 : i32
    %scan3A_26 = arith.constant 1 : i32
    scf.for %scan3A_57 = %scan3A_23 to %scan3A_25 step %scan3A_26  : i32 {
      %mul3A_58 = arith.constant 5 : i32
      %mul3A_59 = arith.muli %scan3A_57, %mul3A_58 : i32
      %add3A_60 = arith.constant 0 : i32
      %add3A_61 = arith.addi %mul3A_59, %add3A_60 : i32
      %dma_wait3A_62 = arith.constant 0 : i32
      %dma_wait3A_63 = tpu.memref_slice %arg5[%add3A_61, %dma_wait3A_62] : memref<50x128xi32, #tpu.memory_space<vmem>> -> memref<1x128xi32, #tpu.memory_space<vmem>>
      %dma_wait3A_64 = tpu.memref_squeeze %dma_wait3A_63 : memref<1x128xi32, #tpu.memory_space<vmem>> -> memref<128xi32, #tpu.memory_space<vmem>>
      %dma_wait3A_65 = arith.constant 0 : i32
      %dma_wait3A_66 = arith.constant 0 : i32
      %dma_wait3A_67 = tpu.memref_slice %arg3[%dma_wait3A_65, %dma_wait3A_66] : memref<1000000x128xf32, #tpu.memory_space<hbm>> -> memref<1000000x128xf32, #tpu.memory_space<hbm>>
      tpu.wait_indirect_dma semaphore(%arg11 : memref<!tpu.dma_semaphore, #tpu.memory_space<semaphore_mem>>) src(%dma_wait3A_67 : memref<1000000x128xf32, #tpu.memory_space<hbm>>) dst(%arg6 : memref<128x128xf32, #tpu.memory_space<vmem>>)
      %add3A_68 = arith.addi %mul3A_2, %add3A_61 : i32
      %mul3A_69 = arith.constant 128 : i32
      %mul3A_70 = arith.muli %add3A_68, %mul3A_69 : i32
      %dma_start3A_71 = arith.constant 0 : i32
      %dma_start3A_72 = tpu.memref_slice %arg4[%mul3A_70, %dma_start3A_71] : memref<204800x128xf32, #tpu.memory_space<hbm>> -> memref<128x128xf32, #tpu.memory_space<hbm>>
      %dma_start3A_73 = arith.constant 0 : i32
      %dma_start3A_74 = tpu.memref_slice %arg4[%mul3A_70, %dma_start3A_73] : memref<204800x128xf32, #tpu.memory_space<hbm>> -> memref<128x128xf32, #tpu.memory_space<hbm>>
      tpu.enqueue_dma source(%arg6 : memref<128x128xf32, #tpu.memory_space<vmem>>) target(%dma_start3A_74 : memref<128x128xf32, #tpu.memory_space<hbm>>) target_semaphore(%arg16 : memref<!tpu.dma_semaphore, #tpu.memory_space<semaphore_mem>>)
      %add3A_75 = arith.constant 3 : i32
      %add3A_76 = arith.addi %add3A_61, %add3A_75 : i32
      %lt3A = arith.constant 50 : i32
      %lt3A_77 = arith.cmpi slt, %add3A_76, %lt3A : i32
      %convert_element_type3A = arith.extui %lt3A_77 : i1 to i32
      %cond3A = arith.constant 0 : i32
      %cond3A_78 = arith.cmpi ne, %convert_element_type3A, %cond3A : i32
      scf.if %cond3A_78 {
        %ge3A = arith.constant 5 : i32
        %ge3A_175 = arith.cmpi sge, %add3A_76, %ge3A : i32
        %convert_element_type3A_176 = arith.extui %ge3A_175 : i1 to i32
        %cond3A_177 = arith.constant 0 : i32
        %cond3A_178 = arith.cmpi ne, %convert_element_type3A_176, %cond3A_177 : i32
        scf.if %cond3A_178 {
          %dma_wait3A_185 = arith.constant 0 : i32
          %dma_wait3A_186 = arith.constant 0 : i32
          %dma_wait3A_187 = tpu.memref_slice %arg4[%dma_wait3A_185, %dma_wait3A_186] : memref<204800x128xf32, #tpu.memory_space<hbm>> -> memref<128x128xf32, #tpu.memory_space<hbm>>
          %dma_wait3A_188 = arith.constant 0 : i32
          %dma_wait3A_189 = arith.constant 0 : i32
          %dma_wait3A_190 = tpu.memref_slice %arg4[%dma_wait3A_188, %dma_wait3A_189] : memref<204800x128xf32, #tpu.memory_space<hbm>> -> memref<128x128xf32, #tpu.memory_space<hbm>>
          tpu.wait_dma2 semaphore(%arg19 : memref<!tpu.dma_semaphore, #tpu.memory_space<semaphore_mem>>) src(%arg9 : memref<128x128xf32, #tpu.memory_space<vmem>>) dst(%dma_wait3A_190 : memref<128x128xf32, #tpu.memory_space<hbm>>)
        } else {
        }
        %dma_start3A_179 = arith.constant 0 : i32
        %dma_start3A_180 = tpu.memref_slice %arg5[%add3A_76, %dma_start3A_179] : memref<50x128xi32, #tpu.memory_space<vmem>> -> memref<1x128xi32, #tpu.memory_space<vmem>>
        %dma_start3A_181 = tpu.memref_squeeze %dma_start3A_180 : memref<1x128xi32, #tpu.memory_space<vmem>> -> memref<128xi32, #tpu.memory_space<vmem>>
        %dma_start3A_182 = arith.constant 0 : i32
        %dma_start3A_183 = arith.constant 0 : i32
        %dma_start3A_184 = tpu.memref_slice %arg3[%dma_start3A_182, %dma_start3A_183] : memref<1000000x128xf32, #tpu.memory_space<hbm>> -> memref<1000000x128xf32, #tpu.memory_space<hbm>>
        tpu.enqueue_indirect_dma source(%dma_start3A_184 : memref<1000000x128xf32, #tpu.memory_space<hbm>>) target(%arg9 : memref<128x128xf32, #tpu.memory_space<vmem>>) offsets(%dma_start3A_181 : memref<128xi32, #tpu.memory_space<vmem>>) semaphore(%arg14 : memref<!tpu.dma_semaphore, #tpu.memory_space<semaphore_mem>>)
      } else {
      }
      %mul3A_79 = arith.constant 5 : i32
      %mul3A_80 = arith.muli %scan3A_57, %mul3A_79 : i32
      %add3A_81 = arith.constant 1 : i32
      %add3A_82 = arith.addi %mul3A_80, %add3A_81 : i32
      %dma_wait3A_83 = arith.constant 0 : i32
      %dma_wait3A_84 = tpu.memref_slice %arg5[%add3A_82, %dma_wait3A_83] : memref<50x128xi32, #tpu.memory_space<vmem>> -> memref<1x128xi32, #tpu.memory_space<vmem>>
      %dma_wait3A_85 = tpu.memref_squeeze %dma_wait3A_84 : memref<1x128xi32, #tpu.memory_space<vmem>> -> memref<128xi32, #tpu.memory_space<vmem>>
      %dma_wait3A_86 = arith.constant 0 : i32
      %dma_wait3A_87 = arith.constant 0 : i32
      %dma_wait3A_88 = tpu.memref_slice %arg3[%dma_wait3A_86, %dma_wait3A_87] : memref<1000000x128xf32, #tpu.memory_space<hbm>> -> memref<1000000x128xf32, #tpu.memory_space<hbm>>
      tpu.wait_indirect_dma semaphore(%arg12 : memref<!tpu.dma_semaphore, #tpu.memory_space<semaphore_mem>>) src(%dma_wait3A_88 : memref<1000000x128xf32, #tpu.memory_space<hbm>>) dst(%arg7 : memref<128x128xf32, #tpu.memory_space<vmem>>)
      %add3A_89 = arith.addi %mul3A_2, %add3A_82 : i32
      %mul3A_90 = arith.constant 128 : i32
      %mul3A_91 = arith.muli %add3A_89, %mul3A_90 : i32
      %dma_start3A_92 = arith.constant 0 : i32
      %dma_start3A_93 = tpu.memref_slice %arg4[%mul3A_91, %dma_start3A_92] : memref<204800x128xf32, #tpu.memory_space<hbm>> -> memref<128x128xf32, #tpu.memory_space<hbm>>
      %dma_start3A_94 = arith.constant 0 : i32
      %dma_start3A_95 = tpu.memref_slice %arg4[%mul3A_91, %dma_start3A_94] : memref<204800x128xf32, #tpu.memory_space<hbm>> -> memref<128x128xf32, #tpu.memory_space<hbm>>
      tpu.enqueue_dma source(%arg7 : memref<128x128xf32, #tpu.memory_space<vmem>>) target(%dma_start3A_95 : memref<128x128xf32, #tpu.memory_space<hbm>>) target_semaphore(%arg17 : memref<!tpu.dma_semaphore, #tpu.memory_space<semaphore_mem>>)
      %add3A_96 = arith.constant 3 : i32
      %add3A_97 = arith.addi %add3A_82, %add3A_96 : i32
      %lt3A_98 = arith.constant 50 : i32
      %lt3A_99 = arith.cmpi slt, %add3A_97, %lt3A_98 : i32
      %convert_element_type3A_100 = arith.extui %lt3A_99 : i1 to i32
      %cond3A_101 = arith.constant 0 : i32
      %cond3A_102 = arith.cmpi ne, %convert_element_type3A_100, %cond3A_101 : i32
      scf.if %cond3A_102 {
        %ge3A = arith.constant 5 : i32
        %ge3A_175 = arith.cmpi sge, %add3A_97, %ge3A : i32
        %convert_element_type3A_176 = arith.extui %ge3A_175 : i1 to i32
        %cond3A_177 = arith.constant 0 : i32
        %cond3A_178 = arith.cmpi ne, %convert_element_type3A_176, %cond3A_177 : i32
        scf.if %cond3A_178 {
          %dma_wait3A_185 = arith.constant 0 : i32
          %dma_wait3A_186 = arith.constant 0 : i32
          %dma_wait3A_187 = tpu.memref_slice %arg4[%dma_wait3A_185, %dma_wait3A_186] : memref<204800x128xf32, #tpu.memory_space<hbm>> -> memref<128x128xf32, #tpu.memory_space<hbm>>
          %dma_wait3A_188 = arith.constant 0 : i32
          %dma_wait3A_189 = arith.constant 0 : i32
          %dma_wait3A_190 = tpu.memref_slice %arg4[%dma_wait3A_188, %dma_wait3A_189] : memref<204800x128xf32, #tpu.memory_space<hbm>> -> memref<128x128xf32, #tpu.memory_space<hbm>>
          tpu.wait_dma2 semaphore(%arg20 : memref<!tpu.dma_semaphore, #tpu.memory_space<semaphore_mem>>) src(%arg10 : memref<128x128xf32, #tpu.memory_space<vmem>>) dst(%dma_wait3A_190 : memref<128x128xf32, #tpu.memory_space<hbm>>)
        } else {
        }
        %dma_start3A_179 = arith.constant 0 : i32
        %dma_start3A_180 = tpu.memref_slice %arg5[%add3A_97, %dma_start3A_179] : memref<50x128xi32, #tpu.memory_space<vmem>> -> memref<1x128xi32, #tpu.memory_space<vmem>>
        %dma_start3A_181 = tpu.memref_squeeze %dma_start3A_180 : memref<1x128xi32, #tpu.memory_space<vmem>> -> memref<128xi32, #tpu.memory_space<vmem>>
        %dma_start3A_182 = arith.constant 0 : i32
        %dma_start3A_183 = arith.constant 0 : i32
        %dma_start3A_184 = tpu.memref_slice %arg3[%dma_start3A_182, %dma_start3A_183] : memref<1000000x128xf32, #tpu.memory_space<hbm>> -> memref<1000000x128xf32, #tpu.memory_space<hbm>>
        tpu.enqueue_indirect_dma source(%dma_start3A_184 : memref<1000000x128xf32, #tpu.memory_space<hbm>>) target(%arg10 : memref<128x128xf32, #tpu.memory_space<vmem>>) offsets(%dma_start3A_181 : memref<128xi32, #tpu.memory_space<vmem>>) semaphore(%arg15 : memref<!tpu.dma_semaphore, #tpu.memory_space<semaphore_mem>>)
      } else {
      }
      %mul3A_103 = arith.constant 5 : i32
      %mul3A_104 = arith.muli %scan3A_57, %mul3A_103 : i32
      %add3A_105 = arith.constant 2 : i32
      %add3A_106 = arith.addi %mul3A_104, %add3A_105 : i32
      %dma_wait3A_107 = arith.constant 0 : i32
      %dma_wait3A_108 = tpu.memref_slice %arg5[%add3A_106, %dma_wait3A_107] : memref<50x128xi32, #tpu.memory_space<vmem>> -> memref<1x128xi32, #tpu.memory_space<vmem>>
      %dma_wait3A_109 = tpu.memref_squeeze %dma_wait3A_108 : memref<1x128xi32, #tpu.memory_space<vmem>> -> memref<128xi32, #tpu.memory_space<vmem>>
      %dma_wait3A_110 = arith.constant 0 : i32
      %dma_wait3A_111 = arith.constant 0 : i32
      %dma_wait3A_112 = tpu.memref_slice %arg3[%dma_wait3A_110, %dma_wait3A_111] : memref<1000000x128xf32, #tpu.memory_space<hbm>> -> memref<1000000x128xf32, #tpu.memory_space<hbm>>
      tpu.wait_indirect_dma semaphore(%arg13 : memref<!tpu.dma_semaphore, #tpu.memory_space<semaphore_mem>>) src(%dma_wait3A_112 : memref<1000000x128xf32, #tpu.memory_space<hbm>>) dst(%arg8 : memref<128x128xf32, #tpu.memory_space<vmem>>)
      %add3A_113 = arith.addi %mul3A_2, %add3A_106 : i32
      %mul3A_114 = arith.constant 128 : i32
      %mul3A_115 = arith.muli %add3A_113, %mul3A_114 : i32
      %dma_start3A_116 = arith.constant 0 : i32
      %dma_start3A_117 = tpu.memref_slice %arg4[%mul3A_115, %dma_start3A_116] : memref<204800x128xf32, #tpu.memory_space<hbm>> -> memref<128x128xf32, #tpu.memory_space<hbm>>
      %dma_start3A_118 = arith.constant 0 : i32
      %dma_start3A_119 = tpu.memref_slice %arg4[%mul3A_115, %dma_start3A_118] : memref<204800x128xf32, #tpu.memory_space<hbm>> -> memref<128x128xf32, #tpu.memory_space<hbm>>
      tpu.enqueue_dma source(%arg8 : memref<128x128xf32, #tpu.memory_space<vmem>>) target(%dma_start3A_119 : memref<128x128xf32, #tpu.memory_space<hbm>>) target_semaphore(%arg18 : memref<!tpu.dma_semaphore, #tpu.memory_space<semaphore_mem>>)
      %add3A_120 = arith.constant 3 : i32
      %add3A_121 = arith.addi %add3A_106, %add3A_120 : i32
      %lt3A_122 = arith.constant 50 : i32
      %lt3A_123 = arith.cmpi slt, %add3A_121, %lt3A_122 : i32
      %convert_element_type3A_124 = arith.extui %lt3A_123 : i1 to i32
      %cond3A_125 = arith.constant 0 : i32
      %cond3A_126 = arith.cmpi ne, %convert_element_type3A_124, %cond3A_125 : i32
      scf.if %cond3A_126 {
        %ge3A = arith.constant 5 : i32
        %ge3A_175 = arith.cmpi sge, %add3A_121, %ge3A : i32
        %convert_element_type3A_176 = arith.extui %ge3A_175 : i1 to i32
        %cond3A_177 = arith.constant 0 : i32
        %cond3A_178 = arith.cmpi ne, %convert_element_type3A_176, %cond3A_177 : i32
        scf.if %cond3A_178 {
          %dma_wait3A_185 = arith.constant 0 : i32
          %dma_wait3A_186 = arith.constant 0 : i32
          %dma_wait3A_187 = tpu.memref_slice %arg4[%dma_wait3A_185, %dma_wait3A_186] : memref<204800x128xf32, #tpu.memory_space<hbm>> -> memref<128x128xf32, #tpu.memory_space<hbm>>
          %dma_wait3A_188 = arith.constant 0 : i32
          %dma_wait3A_189 = arith.constant 0 : i32
          %dma_wait3A_190 = tpu.memref_slice %arg4[%dma_wait3A_188, %dma_wait3A_189] : memref<204800x128xf32, #tpu.memory_space<hbm>> -> memref<128x128xf32, #tpu.memory_space<hbm>>
          tpu.wait_dma2 semaphore(%arg16 : memref<!tpu.dma_semaphore, #tpu.memory_space<semaphore_mem>>) src(%arg6 : memref<128x128xf32, #tpu.memory_space<vmem>>) dst(%dma_wait3A_190 : memref<128x128xf32, #tpu.memory_space<hbm>>)
        } else {
        }
        %dma_start3A_179 = arith.constant 0 : i32
        %dma_start3A_180 = tpu.memref_slice %arg5[%add3A_121, %dma_start3A_179] : memref<50x128xi32, #tpu.memory_space<vmem>> -> memref<1x128xi32, #tpu.memory_space<vmem>>
        %dma_start3A_181 = tpu.memref_squeeze %dma_start3A_180 : memref<1x128xi32, #tpu.memory_space<vmem>> -> memref<128xi32, #tpu.memory_space<vmem>>
        %dma_start3A_182 = arith.constant 0 : i32
        %dma_start3A_183 = arith.constant 0 : i32
        %dma_start3A_184 = tpu.memref_slice %arg3[%dma_start3A_182, %dma_start3A_183] : memref<1000000x128xf32, #tpu.memory_space<hbm>> -> memref<1000000x128xf32, #tpu.memory_space<hbm>>
        tpu.enqueue_indirect_dma source(%dma_start3A_184 : memref<1000000x128xf32, #tpu.memory_space<hbm>>) target(%arg6 : memref<128x128xf32, #tpu.memory_space<vmem>>) offsets(%dma_start3A_181 : memref<128xi32, #tpu.memory_space<vmem>>) semaphore(%arg11 : memref<!tpu.dma_semaphore, #tpu.memory_space<semaphore_mem>>)
      } else {
      }
      %mul3A_127 = arith.constant 5 : i32
      %mul3A_128 = arith.muli %scan3A_57, %mul3A_127 : i32
      %add3A_129 = arith.constant 3 : i32
      %add3A_130 = arith.addi %mul3A_128, %add3A_129 : i32
      %dma_wait3A_131 = arith.constant 0 : i32
      %dma_wait3A_132 = tpu.memref_slice %arg5[%add3A_130, %dma_wait3A_131] : memref<50x128xi32, #tpu.memory_space<vmem>> -> memref<1x128xi32, #tpu.memory_space<vmem>>
      %dma_wait3A_133 = tpu.memref_squeeze %dma_wait3A_132 : memref<1x128xi32, #tpu.memory_space<vmem>> -> memref<128xi32, #tpu.memory_space<vmem>>
      %dma_wait3A_134 = arith.constant 0 : i32
      %dma_wait3A_135 = arith.constant 0 : i32
      %dma_wait3A_136 = tpu.memref_slice %arg3[%dma_wait3A_134, %dma_wait3A_135] : memref<1000000x128xf32, #tpu.memory_space<hbm>> -> memref<1000000x128xf32, #tpu.memory_space<hbm>>
      tpu.wait_indirect_dma semaphore(%arg14 : memref<!tpu.dma_semaphore, #tpu.memory_space<semaphore_mem>>) src(%dma_wait3A_136 : memref<1000000x128xf32, #tpu.memory_space<hbm>>) dst(%arg9 : memref<128x128xf32, #tpu.memory_space<vmem>>)
      %add3A_137 = arith.addi %mul3A_2, %add3A_130 : i32
      %mul3A_138 = arith.constant 128 : i32
      %mul3A_139 = arith.muli %add3A_137, %mul3A_138 : i32
      %dma_start3A_140 = arith.constant 0 : i32
      %dma_start3A_141 = tpu.memref_slice %arg4[%mul3A_139, %dma_start3A_140] : memref<204800x128xf32, #tpu.memory_space<hbm>> -> memref<128x128xf32, #tpu.memory_space<hbm>>
      %dma_start3A_142 = arith.constant 0 : i32
      %dma_start3A_143 = tpu.memref_slice %arg4[%mul3A_139, %dma_start3A_142] : memref<204800x128xf32, #tpu.memory_space<hbm>> -> memref<128x128xf32, #tpu.memory_space<hbm>>
      tpu.enqueue_dma source(%arg9 : memref<128x128xf32, #tpu.memory_space<vmem>>) target(%dma_start3A_143 : memref<128x128xf32, #tpu.memory_space<hbm>>) target_semaphore(%arg19 : memref<!tpu.dma_semaphore, #tpu.memory_space<semaphore_mem>>)
      %add3A_144 = arith.constant 3 : i32
      %add3A_145 = arith.addi %add3A_130, %add3A_144 : i32
      %lt3A_146 = arith.constant 50 : i32
      %lt3A_147 = arith.cmpi slt, %add3A_145, %lt3A_146 : i32
      %convert_element_type3A_148 = arith.extui %lt3A_147 : i1 to i32
      %cond3A_149 = arith.constant 0 : i32
      %cond3A_150 = arith.cmpi ne, %convert_element_type3A_148, %cond3A_149 : i32
      scf.if %cond3A_150 {
        %ge3A = arith.constant 5 : i32
        %ge3A_175 = arith.cmpi sge, %add3A_145, %ge3A : i32
        %convert_element_type3A_176 = arith.extui %ge3A_175 : i1 to i32
        %cond3A_177 = arith.constant 0 : i32
        %cond3A_178 = arith.cmpi ne, %convert_element_type3A_176, %cond3A_177 : i32
        scf.if %cond3A_178 {
          %dma_wait3A_185 = arith.constant 0 : i32
          %dma_wait3A_186 = arith.constant 0 : i32
          %dma_wait3A_187 = tpu.memref_slice %arg4[%dma_wait3A_185, %dma_wait3A_186] : memref<204800x128xf32, #tpu.memory_space<hbm>> -> memref<128x128xf32, #tpu.memory_space<hbm>>
          %dma_wait3A_188 = arith.constant 0 : i32
          %dma_wait3A_189 = arith.constant 0 : i32
          %dma_wait3A_190 = tpu.memref_slice %arg4[%dma_wait3A_188, %dma_wait3A_189] : memref<204800x128xf32, #tpu.memory_space<hbm>> -> memref<128x128xf32, #tpu.memory_space<hbm>>
          tpu.wait_dma2 semaphore(%arg17 : memref<!tpu.dma_semaphore, #tpu.memory_space<semaphore_mem>>) src(%arg7 : memref<128x128xf32, #tpu.memory_space<vmem>>) dst(%dma_wait3A_190 : memref<128x128xf32, #tpu.memory_space<hbm>>)
        } else {
        }
        %dma_start3A_179 = arith.constant 0 : i32
        %dma_start3A_180 = tpu.memref_slice %arg5[%add3A_145, %dma_start3A_179] : memref<50x128xi32, #tpu.memory_space<vmem>> -> memref<1x128xi32, #tpu.memory_space<vmem>>
        %dma_start3A_181 = tpu.memref_squeeze %dma_start3A_180 : memref<1x128xi32, #tpu.memory_space<vmem>> -> memref<128xi32, #tpu.memory_space<vmem>>
        %dma_start3A_182 = arith.constant 0 : i32
        %dma_start3A_183 = arith.constant 0 : i32
        %dma_start3A_184 = tpu.memref_slice %arg3[%dma_start3A_182, %dma_start3A_183] : memref<1000000x128xf32, #tpu.memory_space<hbm>> -> memref<1000000x128xf32, #tpu.memory_space<hbm>>
        tpu.enqueue_indirect_dma source(%dma_start3A_184 : memref<1000000x128xf32, #tpu.memory_space<hbm>>) target(%arg7 : memref<128x128xf32, #tpu.memory_space<vmem>>) offsets(%dma_start3A_181 : memref<128xi32, #tpu.memory_space<vmem>>) semaphore(%arg12 : memref<!tpu.dma_semaphore, #tpu.memory_space<semaphore_mem>>)
      } else {
      }
      %mul3A_151 = arith.constant 5 : i32
      %mul3A_152 = arith.muli %scan3A_57, %mul3A_151 : i32
      %add3A_153 = arith.constant 4 : i32
      %add3A_154 = arith.addi %mul3A_152, %add3A_153 : i32
      %dma_wait3A_155 = arith.constant 0 : i32
      %dma_wait3A_156 = tpu.memref_slice %arg5[%add3A_154, %dma_wait3A_155] : memref<50x128xi32, #tpu.memory_space<vmem>> -> memref<1x128xi32, #tpu.memory_space<vmem>>
      %dma_wait3A_157 = tpu.memref_squeeze %dma_wait3A_156 : memref<1x128xi32, #tpu.memory_space<vmem>> -> memref<128xi32, #tpu.memory_space<vmem>>
      %dma_wait3A_158 = arith.constant 0 : i32
      %dma_wait3A_159 = arith.constant 0 : i32
      %dma_wait3A_160 = tpu.memref_slice %arg3[%dma_wait3A_158, %dma_wait3A_159] : memref<1000000x128xf32, #tpu.memory_space<hbm>> -> memref<1000000x128xf32, #tpu.memory_space<hbm>>
      tpu.wait_indirect_dma semaphore(%arg15 : memref<!tpu.dma_semaphore, #tpu.memory_space<semaphore_mem>>) src(%dma_wait3A_160 : memref<1000000x128xf32, #tpu.memory_space<hbm>>) dst(%arg10 : memref<128x128xf32, #tpu.memory_space<vmem>>)
      %add3A_161 = arith.addi %mul3A_2, %add3A_154 : i32
      %mul3A_162 = arith.constant 128 : i32
      %mul3A_163 = arith.muli %add3A_161, %mul3A_162 : i32
      %dma_start3A_164 = arith.constant 0 : i32
      %dma_start3A_165 = tpu.memref_slice %arg4[%mul3A_163, %dma_start3A_164] : memref<204800x128xf32, #tpu.memory_space<hbm>> -> memref<128x128xf32, #tpu.memory_space<hbm>>
      %dma_start3A_166 = arith.constant 0 : i32
      %dma_start3A_167 = tpu.memref_slice %arg4[%mul3A_163, %dma_start3A_166] : memref<204800x128xf32, #tpu.memory_space<hbm>> -> memref<128x128xf32, #tpu.memory_space<hbm>>
      tpu.enqueue_dma source(%arg10 : memref<128x128xf32, #tpu.memory_space<vmem>>) target(%dma_start3A_167 : memref<128x128xf32, #tpu.memory_space<hbm>>) target_semaphore(%arg20 : memref<!tpu.dma_semaphore, #tpu.memory_space<semaphore_mem>>)
      %add3A_168 = arith.constant 3 : i32
      %add3A_169 = arith.addi %add3A_154, %add3A_168 : i32
      %lt3A_170 = arith.constant 50 : i32
      %lt3A_171 = arith.cmpi slt, %add3A_169, %lt3A_170 : i32
      %convert_element_type3A_172 = arith.extui %lt3A_171 : i1 to i32
      %cond3A_173 = arith.constant 0 : i32
      %cond3A_174 = arith.cmpi ne, %convert_element_type3A_172, %cond3A_173 : i32
      scf.if %cond3A_174 {
        %ge3A = arith.constant 5 : i32
        %ge3A_175 = arith.cmpi sge, %add3A_169, %ge3A : i32
        %convert_element_type3A_176 = arith.extui %ge3A_175 : i1 to i32
        %cond3A_177 = arith.constant 0 : i32
        %cond3A_178 = arith.cmpi ne, %convert_element_type3A_176, %cond3A_177 : i32
        scf.if %cond3A_178 {
          %dma_wait3A_185 = arith.constant 0 : i32
          %dma_wait3A_186 = arith.constant 0 : i32
          %dma_wait3A_187 = tpu.memref_slice %arg4[%dma_wait3A_185, %dma_wait3A_186] : memref<204800x128xf32, #tpu.memory_space<hbm>> -> memref<128x128xf32, #tpu.memory_space<hbm>>
          %dma_wait3A_188 = arith.constant 0 : i32
          %dma_wait3A_189 = arith.constant 0 : i32
          %dma_wait3A_190 = tpu.memref_slice %arg4[%dma_wait3A_188, %dma_wait3A_189] : memref<204800x128xf32, #tpu.memory_space<hbm>> -> memref<128x128xf32, #tpu.memory_space<hbm>>
          tpu.wait_dma2 semaphore(%arg18 : memref<!tpu.dma_semaphore, #tpu.memory_space<semaphore_mem>>) src(%arg8 : memref<128x128xf32, #tpu.memory_space<vmem>>) dst(%dma_wait3A_190 : memref<128x128xf32, #tpu.memory_space<hbm>>)
        } else {
        }
        %dma_start3A_179 = arith.constant 0 : i32
        %dma_start3A_180 = tpu.memref_slice %arg5[%add3A_169, %dma_start3A_179] : memref<50x128xi32, #tpu.memory_space<vmem>> -> memref<1x128xi32, #tpu.memory_space<vmem>>
        %dma_start3A_181 = tpu.memref_squeeze %dma_start3A_180 : memref<1x128xi32, #tpu.memory_space<vmem>> -> memref<128xi32, #tpu.memory_space<vmem>>
        %dma_start3A_182 = arith.constant 0 : i32
        %dma_start3A_183 = arith.constant 0 : i32
        %dma_start3A_184 = tpu.memref_slice %arg3[%dma_start3A_182, %dma_start3A_183] : memref<1000000x128xf32, #tpu.memory_space<hbm>> -> memref<1000000x128xf32, #tpu.memory_space<hbm>>
        tpu.enqueue_indirect_dma source(%dma_start3A_184 : memref<1000000x128xf32, #tpu.memory_space<hbm>>) target(%arg8 : memref<128x128xf32, #tpu.memory_space<vmem>>) offsets(%dma_start3A_181 : memref<128xi32, #tpu.memory_space<vmem>>) semaphore(%arg13 : memref<!tpu.dma_semaphore, #tpu.memory_space<semaphore_mem>>)
      } else {
      }
    }
    %scan3A_27 = arith.constant 10 : i32
    %dma_wait3A = arith.constant 0 : i32
    %dma_wait3A_28 = arith.constant 0 : i32
    %dma_wait3A_29 = tpu.memref_slice %arg4[%dma_wait3A, %dma_wait3A_28] : memref<204800x128xf32, #tpu.memory_space<hbm>> -> memref<128x128xf32, #tpu.memory_space<hbm>>
    %dma_wait3A_30 = arith.constant 0 : i32
    %dma_wait3A_31 = arith.constant 0 : i32
    %dma_wait3A_32 = tpu.memref_slice %arg4[%dma_wait3A_30, %dma_wait3A_31] : memref<204800x128xf32, #tpu.memory_space<hbm>> -> memref<128x128xf32, #tpu.memory_space<hbm>>
    tpu.wait_dma2 semaphore(%arg16 : memref<!tpu.dma_semaphore, #tpu.memory_space<semaphore_mem>>) src(%arg6 : memref<128x128xf32, #tpu.memory_space<vmem>>) dst(%dma_wait3A_32 : memref<128x128xf32, #tpu.memory_space<hbm>>)
    %dma_wait3A_33 = arith.constant 0 : i32
    %dma_wait3A_34 = arith.constant 0 : i32
    %dma_wait3A_35 = tpu.memref_slice %arg4[%dma_wait3A_33, %dma_wait3A_34] : memref<204800x128xf32, #tpu.memory_space<hbm>> -> memref<128x128xf32, #tpu.memory_space<hbm>>
    %dma_wait3A_36 = arith.constant 0 : i32
    %dma_wait3A_37 = arith.constant 0 : i32
    %dma_wait3A_38 = tpu.memref_slice %arg4[%dma_wait3A_36, %dma_wait3A_37] : memref<204800x128xf32, #tpu.memory_space<hbm>> -> memref<128x128xf32, #tpu.memory_space<hbm>>
    tpu.wait_dma2 semaphore(%arg17 : memref<!tpu.dma_semaphore, #tpu.memory_space<semaphore_mem>>) src(%arg7 : memref<128x128xf32, #tpu.memory_space<vmem>>) dst(%dma_wait3A_38 : memref<128x128xf32, #tpu.memory_space<hbm>>)
    %dma_wait3A_39 = arith.constant 0 : i32
    %dma_wait3A_40 = arith.constant 0 : i32
    %dma_wait3A_41 = tpu.memref_slice %arg4[%dma_wait3A_39, %dma_wait3A_40] : memref<204800x128xf32, #tpu.memory_space<hbm>> -> memref<128x128xf32, #tpu.memory_space<hbm>>
    %dma_wait3A_42 = arith.constant 0 : i32
    %dma_wait3A_43 = arith.constant 0 : i32
    %dma_wait3A_44 = tpu.memref_slice %arg4[%dma_wait3A_42, %dma_wait3A_43] : memref<204800x128xf32, #tpu.memory_space<hbm>> -> memref<128x128xf32, #tpu.memory_space<hbm>>
    tpu.wait_dma2 semaphore(%arg18 : memref<!tpu.dma_semaphore, #tpu.memory_space<semaphore_mem>>) src(%arg8 : memref<128x128xf32, #tpu.memory_space<vmem>>) dst(%dma_wait3A_44 : memref<128x128xf32, #tpu.memory_space<hbm>>)
    %dma_wait3A_45 = arith.constant 0 : i32
    %dma_wait3A_46 = arith.constant 0 : i32
    %dma_wait3A_47 = tpu.memref_slice %arg4[%dma_wait3A_45, %dma_wait3A_46] : memref<204800x128xf32, #tpu.memory_space<hbm>> -> memref<128x128xf32, #tpu.memory_space<hbm>>
    %dma_wait3A_48 = arith.constant 0 : i32
    %dma_wait3A_49 = arith.constant 0 : i32
    %dma_wait3A_50 = tpu.memref_slice %arg4[%dma_wait3A_48, %dma_wait3A_49] : memref<204800x128xf32, #tpu.memory_space<hbm>> -> memref<128x128xf32, #tpu.memory_space<hbm>>
    tpu.wait_dma2 semaphore(%arg19 : memref<!tpu.dma_semaphore, #tpu.memory_space<semaphore_mem>>) src(%arg9 : memref<128x128xf32, #tpu.memory_space<vmem>>) dst(%dma_wait3A_50 : memref<128x128xf32, #tpu.memory_space<hbm>>)
    %dma_wait3A_51 = arith.constant 0 : i32
    %dma_wait3A_52 = arith.constant 0 : i32
    %dma_wait3A_53 = tpu.memref_slice %arg4[%dma_wait3A_51, %dma_wait3A_52] : memref<204800x128xf32, #tpu.memory_space<hbm>> -> memref<128x128xf32, #tpu.memory_space<hbm>>
    %dma_wait3A_54 = arith.constant 0 : i32
    %dma_wait3A_55 = arith.constant 0 : i32
    %dma_wait3A_56 = tpu.memref_slice %arg4[%dma_wait3A_54, %dma_wait3A_55] : memref<204800x128xf32, #tpu.memory_space<hbm>> -> memref<128x128xf32, #tpu.memory_space<hbm>>
    tpu.wait_dma2 semaphore(%arg20 : memref<!tpu.dma_semaphore, #tpu.memory_space<semaphore_mem>>) src(%arg10 : memref<128x128xf32, #tpu.memory_space<vmem>>) dst(%dma_wait3A_56 : memref<128x128xf32, #tpu.memory_space<hbm>>)
    return
  }
}

module attributes {stable_mosaic.version = 14 : i64} {
  func.func @_pad_block(%arg0: i32, %arg1: memref<1000x64xf32, #tpu.memory_space<vmem>>, %arg2: memref<1000x128xf32, #tpu.memory_space<vmem>>) attributes {dimension_semantics = [#tpu.dimension_semantics<arbitrary>], iteration_bounds = array<i64: 1000>, scalar_prefetch = 0 : i64, scratch_operands = 0 : i64, tpu.core_type = #tpu.core_type<tc>, window_params = [{transform_indices = @transform_0, window_bounds = array<i64: 1000, 64>}, {transform_indices = @transform_1, window_bounds = array<i64: 1000, 128>}]} {
    %get3A = arith.constant 0 : index
    %get3A_0 = arith.constant 0 : index
    %get3A_1 = vector.load %arg1[%get3A, %get3A_0] : memref<1000x64xf32, #tpu.memory_space<vmem>>, vector<1000x64xf32>
    %swap3A = arith.constant 0 : index
    %swap3A_2 = arith.constant 0 : index
    %swap3A_3 = vector.load %arg2[%swap3A, %swap3A_2] : memref<1000x128xf32, #tpu.memory_space<vmem>>, vector<1000x64xf32>
    tpu.vector_store %arg2[%swap3A, %swap3A_2], %get3A_1 {strides = array<i32>} : memref<1000x128xf32, #tpu.memory_space<vmem>>, vector<1000x64xf32>,
    %broadcast_in_dim3A = arith.constant 0.000000e+00 : f32
    %broadcast_in_dim3A_4 = vector.broadcast %broadcast_in_dim3A : f32 to vector<1000x64xf32>
    %swap3A_5 = arith.constant 0 : index
    %swap3A_6 = arith.constant 64 : index
    %swap3A_7 = vector.load %arg2[%swap3A_5, %swap3A_6] : memref<1000x128xf32, #tpu.memory_space<vmem>>, vector<1000x64xf32>
    tpu.vector_store %arg2[%swap3A_5, %swap3A_6], %broadcast_in_dim3A_4 {strides = array<i32>} : memref<1000x128xf32, #tpu.memory_space<vmem>>, vector<1000x64xf32>,
    return
  }
  func.func @transform_0(%arg0: i32) -> (i32, i32) {
    %c0_i32 = arith.constant 0 : i32
    %c0_i32_0 = arith.constant 0 : i32
    return %arg0, %c0_i32 : i32, i32
  }
  func.func @transform_1(%arg0: i32) -> (i32, i32) {
    %c0_i32 = arith.constant 0 : i32
    %c0_i32_0 = arith.constant 0 : i32
    return %arg0, %c0_i32 : i32, i32
  }
}

</mosaic_0001>

<sc_bundles>
// kernel: kernel.4.cloned.1.call-start
scs
__scs_entry_jumppad:
0x0: {  	(pc) =	sbr.rel $0x88, $3  }
0x1: {  	(tag) =	ssettag $0x0;
	lr =	simm.s32 $0x1  }
0x2: {  	[smem:$0x3F9E] =	sst lr;
	_ =	strace $0xD0000000  }
0x3: {  	_ = 	snop  }
0x4: {  	_ = 	snop  }
0x5: {  	_ = 	snop  }
0x6: {  	_ = 	snop  }
0x7: {  	_ = 	snop  }
__scs_overlays_trampoline_lowered:
0x8: {  	[smem:$0x3FAD] =	sst s0  }
0x9: {  	[smem:$0x3FAE] =	sst s1  }
0xa: {  	[smem:$0x3FAF] =	sst s2  }
0xb: {  	[smem:$0x3FB0] =	sst s3  }
0xc: {  	[smem:$0x3FB1] =	sst s4  }
0xd: {  	[smem:$0x3FB2] =	sst s5  }
0xe: {  	[smem:$0x3FB3] =	sst s6  }
0xf: {  	[smem:$0x3FB4] =	sst s7  }
0x10: {  	[smem:$0x3FB5] =	sst s8  }
0x11: {  	[smem:$0x3FB6] =	sst s9;
	s0 =	simm.s32 @!p0 $0x0  }
0x12: {  	s1 =	sld [smem:$0x3F9C];
	s0 =	simm.s32 @p0 $0x1  }
0x13: {  	[smem:$0x3FB7] =	sst s0;
	s0 =	simm.s32 @!p1 $0x0  }
0x14: {  	s2 =	sld [smem:$0x3F9B];
	s0 =	simm.s32 @p1 $0x1  }
0x15: {  	[smem:$0x3FB8] =	sst s0;
	s0 =	simm.s32 @!p2 $0x0  }
0x16: {  	s3 =	sld [smem:$0x3FDB];
	s0 =	simm.s32 @p2 $0x1  }
0x17: {  	s4 =	simm.s32 $0x1BF5;
	[smem:$0x3FBA] =	sst s0  }
0x18: {  	s0 =	sld [smem:$0x3F9D];
	_ =	swait.ge [sflag:s4], $0x0  }
0x19: {  	s7 =	sld [smem:$0x3F9E]  }
0x1a: {  	s8 =	sadd.s32 $0xFFFFE003, lr  }
0x1b: {  	s9 =	sadd.s32 $0xFFFFFEF7, lr;
	s5 =	simm.s32 $0xFFFFFFFF;
	p2 =	slt.u32 s8, $0xFFFFF086  }
0x1c: {  	p1 =	slt.u32 s9, $0xF7A;
	s5 =	simm.s32 @!p2 $0x0  }
0x1d: {  	s5 =	simm.s32 @p1 $0x1;
	p0 =	seq.s32 s7, s2  }
0x1e: {  	s7 =	smul.u32 @!p0 $0xF7A, s2;
	p2 =	seq.s32 @!p0 s5, $0x0  }
0x1f: {  	s9 =	smul.u32 $0xF7A, s1;
	s8 =	simm.s32 @!p0 $0x1BF5;
	p2 =	por !p2, p0  }
0x20: {  	[sflag:s8] =	ssyncset.s32 @!p0 $0xFFFFF086;
	s6 =	sadd.s32 @!p0 s3, s7;
	s7 =	simm.s32 @!p0 $0x108  }
0x21: {  	s3 =	sadd.s32 s3, s9;
	s6 =	sadd.s32 @!p0 $0x88, s6;
	s7 =	simm.s32 @p2 $0x1082  }
0x22: {  	[simem:s7], [sflag:s8] =	dma.local @!p0 [hbm:s6], $0xF7A  }
0x23: {  	s9 =	sor.u32 $0xD0000000, s2;
	s6 =	simm.s32 $0x108;
	_ =	swait.ge @!p0 [sflag:s8], $0x0  }
0x24: {  	s3 =	sadd.s32 $0x88, s3;
	s6 =	simm.s32 @!p1 $0x1082;
	[sflag:s4] =	ssyncset.s32 $0xFFFFF086  }
0x25: {  	[simem:s6], [sflag:s4] =	dma.local [hbm:s3], $0xF7A  }
0x26: {  	[smem:$0x3F9E] =	sst s1;
	(tag) =	ssettag s2;
	_ =	strace s9  }
0x27: {  	s1 =	sld [smem:$0x3FAE]  }
0x28: {  	s2 =	sld [smem:$0x3FAF]  }
0x29: {  	s4 =	sld [smem:$0x3FB1]  }
0x2a: {  	p0 =	seq.s32 s5, $0x0;
	s5 =	sld [smem:$0x3FB2]  }
0x2b: {  	s6 =	sld [smem:$0x3FB3]  }
0x2c: {  	s7 =	sld [smem:$0x3FB4]  }
0x2d: {  	s3 =	simm.s32 $0x108;
	s8 =	sld [smem:$0x3FB5]  }
0x2e: {  	s3 =	simm.s32 @!p0 $0x1082;
	s9 =	sld [smem:$0x3FB6]  }
0x2f: {  	lr =	sadd.s32 s0, s3;
	s0 =	sld [smem:$0x3FAD]  }
0x30: {  	s3 =	sld [smem:$0x3FB0]  }
0x31: {  	[smem:$0x3FB9] =	sst s10  }
0x32: {  	s10 =	sld [smem:$0x3FB7];
	_ =	sdelay $0x3  }
0x33: {  	p0 =	seq.s32 s10, $0x1;
	s10 =	sld [smem:$0x3FB9];
	_ =	sdelay $0x3  }
0x34: {  	[smem:$0x3FB9] =	sst s10  }
0x35: {  	s10 =	sld [smem:$0x3FB8];
	_ =	sdelay $0x3  }
0x36: {  	p1 =	seq.s32 s10, $0x1;
	s10 =	sld [smem:$0x3FB9];
	_ =	sdelay $0x3  }
0x37: {  	[smem:$0x3FB9] =	sst s10  }
0x38: {  	s10 =	sld [smem:$0x3FBA]  }
0x39: {  	_ = 	snop;
	(pc) =	sbr.ind lr, $3  }
0x3a: {  	_ = 	snop  }
0x3b: {  	_ = 	snop  }
0x3c: {  	p2 =	seq.s32 s10, $0x1;
	s10 =	sld [smem:$0x3FB9]  }
0x3d: {  	_ =	shalt  }
0x3e: {  	_ =	shalt  }
0x3f: {  	_ =	shalt  }
0x40: {  	_ =	shalt  }
0x41: {  	_ =	shalt  }
0x42: {  	_ =	shalt  }
0x43: {  	_ =	shalt  }
0x44: {  	_ =	shalt  }
0x45: {  	_ =	shalt  }
0x46: {  	_ =	shalt  }
0x47: {  	_ =	shalt  }
0x48: {  	_ =	shalt  }
0x49: {  	_ =	shalt  }
0x4a: {  	_ =	shalt  }
0x4b: {  	_ =	shalt  }
0x4c: {  	_ =	shalt  }
0x4d: {  	_ =	shalt  }
0x4e: {  	_ =	shalt  }
0x4f: {  	_ =	shalt  }
0x50: {  	_ =	shalt  }
0x51: {  	_ =	shalt  }
0x52: {  	_ =	shalt  }
0x53: {  	_ =	shalt  }
0x54: {  	_ =	shalt  }
0x55: {  	_ =	shalt  }
0x56: {  	_ =	shalt  }
0x57: {  	_ =	shalt  }
0x58: {  	_ =	shalt  }
0x59: {  	_ =	shalt  }
0x5a: {  	_ =	shalt  }
0x5b: {  	_ =	shalt  }
0x5c: {  	_ =	shalt  }
0x5d: {  	_ =	shalt  }
0x5e: {  	_ =	shalt  }
0x5f: {  	_ =	shalt  }
0x60: {  	_ =	shalt  }
0x61: {  	_ =	shalt  }
0x62: {  	_ =	shalt  }
0x63: {  	_ =	shalt  }
0x64: {  	_ =	shalt  }
0x65: {  	_ =	shalt  }
0x66: {  	_ =	shalt  }
0x67: {  	_ =	shalt  }
0x68: {  	_ =	shalt  }
0x69: {  	_ =	shalt  }
0x6a: {  	_ =	shalt  }
0x6b: {  	_ =	shalt  }
0x6c: {  	_ =	shalt  }
0x6d: {  	_ =	shalt  }
0x6e: {  	_ =	shalt  }
0x6f: {  	_ =	shalt  }
0x70: {  	_ =	shalt  }
0x71: {  	_ =	shalt  }
0x72: {  	_ =	shalt  }
0x73: {  	_ =	shalt  }
0x74: {  	_ =	shalt  }
0x75: {  	_ =	shalt  }
0x76: {  	_ =	shalt  }
0x77: {  	_ =	shalt  }
0x78: {  	_ =	shalt  }
0x79: {  	_ =	shalt  }
0x7a: {  	_ =	shalt  }
0x7b: {  	_ =	shalt  }
0x7c: {  	_ =	shalt  }
0x7d: {  	_ =	shalt  }
0x7e: {  	_ =	shalt  }
0x7f: {  	_ =	shalt  }
0x80: {  	_ =	shalt  }
0x81: {  	_ =	shalt  }
0x82: {  	_ =	shalt  }
0x83: {  	_ =	shalt  }
0x84: {  	_ =	shalt  }
0x85: {  	_ =	shalt  }
0x86: {  	_ =	shalt  }
0x87: {  	_ =	shalt  }
.Lfunc_end0:
.L_simem_size_0:
called_computation.1_lowered:
.L_overlay_start_0:
0x88: {  	s2 =	sld [smem:$0x3FD9]  }
0x89: {  	s3 =	sld [smem:$0x3FFE];
	_ =	sdelay $0x1  }
0x8a: {  	s1 =	srdreg.scid  }
0x8b: {  	s0 =	sand.u32 $0x1, s1  }
0x8c: {  	s17 =	sshll.u32 s0, $0xA;
	s2 =	sadd.s32 s3, s2  }
0x8d: {  	s2 =	sadd.s32 s2, s17  }
0x8e: {  	[smem:$0x3FC5] =	sst s2  }
0x8f: {  	_ = 	snop  }
0x90: {  	s2 =	sld [smem:$0x3FD0];
	(tm) =	ssettm $0x1  }
0x91: {  	s18 =	sld [smem:$0x3FFB];
	_ =	sdelay $0x3  }
0x92: {  	_ =	strace s18  }
0x93: {  	s3 =	sld [smem:$0x3FFC];
	_ =	sdelay $0x3  }
0x94: {  	_ =	strace s3  }
0x95: {  	s3 =	sld [smem:$0x3FFD];
	_ =	sdelay $0x3  }
0x96: {  	_ =	strace s3  }
0x97: {  	_ =	strace $0x8FFFFFFF  }
0x98: {  	s19 =	sld [smem:$0x3FDB];
	_ =	sdelay $0x1  }
0x99: {  	s4 =	simm.s32 $_scs_section_size  }
0x9a: {  	s5 =	simm.s32 $_size__tile_overlayer_lowered;
	s6 =	simm.s32 $_tile_overlayer_lowered  }
0x9b: {  	s22 =	simm.s32 $0x1BFF;
	s21 =	sshll.u32 s6, $0x1;
	s3 =	sadd.s32 s4, s19  }
0x9c: {  	s7 =	simm.s32 $0x0;
	s20 =	sshll.u32 s5, $0x1;
	s5 =	sadd.s32 s21, s3  }
0x9d: {  	[timem:s7], [sflag:s22] =	dma.local [hbm:s5], s20  }
0x9e: {  	_ =	swait.ge [sflag:s22], s20  }
0x9f: {  	s4 =	ssub.s32 $0x0, s20;
	[sflag:s22] =	ssyncset.done $0x0  }
0xa0: {  	[sflag:s22] =	ssyncadd.s32 s4;
	_ =	sdelay $0x1  }
0xa1: {  	s23 =	simm.s32 $0x1B8B  }
0xa2: {  	_ =	swait.ge [sflag:s23], $0x1  }
0xa3: {  	[sflag:s23] =	ssyncset.done $0x0  }
0xa4: {  	s25 =	simm.s32 $0x1B8E;
	s24 =	sld [smem:$0x3FFE];
	[sflag:s23] =	ssyncadd.s32 $0xFFFFFFFF  }
0xa5: {  	s26 =	simm.s32 $execute0_lowered;
	[smem:$0x3FD2] =	sst s25  }
0xa6: {  	s5 =	sshll.u32 s26, $0x1;
	_ =	strace $0x80000046;
	[dreg:$0x1] =	wrdreg $0xFFFFFFFF  }
0xa7: {  	s28 =	simm.s32 $_size_execute0_lowered;
	s3 =	sadd.s32 s3, s5;
	[dreg:$0x0] =	wrdreg $0x0  }
0xa8: {  	s5 =	sshll.u32 s28, $0x1;
	[dreg:$0x2] =	wrdreg s3  }
0xa9: {  	[dreg:$0x3] =	wrdreg s5  }
0xaa: {  	[dreg:$0x4] =	wrdreg $0xC0  }
0xab: {  	_ =	task [dreg:s7], $0x5FFFF  }
0xac: {  	[dreg:$0x1] =	wrdreg $0xFFFFFFFF  }
0xad: {  	[dreg:$0x0] =	wrdreg $0x60  }
0xae: {  	[dreg:$0x2] =	wrdreg s2  }
0xaf: {  	[dreg:$0x3] =	wrdreg s24  }
0xb0: {  	[dreg:$0x4] =	wrdreg $0x9  }
0xb1: {  	_ =	task.clear_ibuf [dreg:s7], $0x5FFFF;
	_ =	strace $0x90000046  }
0xb2: {  	s29 =	simm.s32 $0x9;
	_ =	strace $0x80000048  }
0xb3: {  	_ =	swait.ge [sflag:s29], $0x1  }
0xb4: {  	[sflag:s29] =	ssyncadd.s32 $0xFFFFFFFF  }
0xb5: {  	_ =	strace $0x90000048  }
0xb6: {  	_ =	sfence  }
0xb7: {  	s30 =	sld [smem:$0x0];
	_ =	sdelay $0x2  }
0xb8: {  	s31 =	sshll.u32 s1, $0xD;
	s1 =	sshrl.u32 s1, $0x2  }
0xb9: {  	s3 =	sand.u32 $0x4000, s31;
	s1 =	sadd.s32 s1, s30  }
0xba: {  	s0 =	sor.u32 s3, s0;
	s1 =	sshll.u32 s1, $0x11  }
0xbb: {  	s0 =	sor.u32 s1, s0  }
0xbc: {  	s0 =	sadd.s32 $0x8F2B, s0  }
0xbd: {  	[sflag:s0] =	ssyncadd.remote.s32 $0x1  }
0xbe: {  	_ =	sfence.sel $0xFFFF  }
0xbf: {  	[dreg:$0x0] =	wrdreg $0xFFFFFFFF;
	(pc) =	sbr.abs _section_cstart, $3  }
0xc0: {  	[dreg:$0x1] =	wrdreg $0xFFFFFFFF  }
0xc1: {  	_ =	task.clear_ibuf [dreg:s7], $0x2FFFF;
	_ =	strace $0x9FFFFFFF  }
0xc2: {  	(tm) =	ssettm $0x7FFFFFFF  }
0xc3: {  	_ =	shalt  }
tec
execute0_lowered:
.L_overlay_start_1:
0x0: {  	(tag) =	ssettag $0x1  }
0x1: {  	s0 =	rddreg [dreg:$0x0]  }
0x2: {  	s1 =	rddreg [dreg:$0x1];
	s2 =	simm.s32 $0x0  }
0x3: {  	s3 =	srdreg.scid;
	s11 =	stileid.u32;
	s12 =	simm.s32 $0x1900  }
0x4: {  	s13 =	simm.s32 $0x5900;
	s15 =	simm.s32 $0x9900;
	s16 =	simm.s32 $0x1  }
0x5: {  	s17 =	simm.s32 $0xD900;
	s18 =	simm.s32 $0x2;
	s19 =	simm.s32 $0x11900  }
0x6: {  	s20 =	simm.s32 $0x3;
	s21 =	simm.s32 $0x4;
	s28 =	simm.s32 $0xA  }
0x7: {  	s29 =	simm.s32 $0x0;
	[smem:$0x7FF] =	sst s2;
	s4 =	sand.u32 $0x1, s3  }
0x8: {  	s22 =	sshll.u32 s11, $0x1;
	s5 =	smul.u32 $0x64, s11;
	s3 =	sadd.s32 $0xF43000, s1  }
0x9: {  	s10 =	sadd.s32 $0xC00, s1;
	s25 =	smul.u32 $0x32000, s11;
	s11 =	simm.s32 $0x80  }
0xa: {  	_ =	strace $0x80000047;
	s6 =	ssub.s32 $0x2, s4;
	s8 =	smul.u32 $0x32, s4  }
0xb: {  	s7 =	sor.u32 s4, s22;
	s4 =	smul.u32 $0x19000, s4;
	s9 =	sshrl.u32 s6, $0x1  }
0xc: {  	s22 =	simm.s32 $0x5;
	s7 =	smul.u32 $0x320, s7;
	s23 =	ssub.s32 s6, s9  }
0xd: {  	s5 =	sadd.s32 s8, s5;
	s6 =	sadd.s32 s25, s10;
	s25 =	simm.s32 $0x8  }
0xe: {  	s0 =	sadd.s32 s0, s7;
	s24 =	sshll.u32 s5, $0xB;
	s1 =	smax.u32 s23, $0x1  }
.Ltmp0:
0xf: {  	[dreg:$0x3] =	wrdreg s0;
	s26 =	sadd.s32 s24, s10;
	(pc) =	sbr.rel .LBB2_1-.Ltmp0, $4  }
0x10: {  	s9 =	sadd.s32 s4, s6;
	[dreg:$0x4] =	wrdreg s1;
	s0 =	sadd.s32 $0x1000, s26  }
0x11: {  	s23 =	simm.s32 $0x6;
	s30 =	sadd.s32 $0x800, s26;
	[dreg:$0x5] =	wrdreg s0  }
0x12: {  	s10 =	simm.s32 $0xB;
	s31 =	sadd.s32 $0x2000, s26;
	[dreg:$0x6] =	wrdreg s30  }
0x13: {  	s24 =	simm.s32 $0x7;
	s26 =	simm.s32 $0x9;
	[dreg:$0x7] =	wrdreg s31  }
.LBB2_4:
0x14: {  	_ =	swait.ge [sflag:s23], $0x4000  }
0x15: {  	[sflag:s23] =	ssyncset.done $0x0  }
0x16: {  	[sflag:s23] =	ssyncadd.s32 $0xFFFFC000  }
0x17: {  	_ =	swait.ge [sflag:s24], $0x4000  }
0x18: {  	[sflag:s24] =	ssyncset.done $0x0  }
0x19: {  	[sflag:s24] =	ssyncadd.s32 $0xFFFFC000  }
0x1a: {  	_ =	swait.ge [sflag:s25], $0x4000  }
0x1b: {  	[sflag:s25] =	ssyncset.done $0x0  }
0x1c: {  	[sflag:s25] =	ssyncadd.s32 $0xFFFFC000  }
0x1d: {  	_ =	swait.ge [sflag:s26], $0x4000  }
0x1e: {  	[sflag:s26] =	ssyncset.done $0x0  }
0x1f: {  	[sflag:s26] =	ssyncadd.s32 $0xFFFFC000  }
0x20: {  	_ =	swait.ge [sflag:s28], $0x4000  }
0x21: {  	s29 =	sadd.s32 $0x1, s29;
	s0 =	rddreg [dreg:$0x4]  }
0x22: {  	p0 =	sne.s32 s29, s0  }
.Ltmp1:
0x23: {  	_ = 	snop;
	(pc) =	sbr.rel @!p0 .LBB2_5-.Ltmp1, $3  }
0x24: {  	_ =	sdelay $0x1  }
0x25: {  	[sflag:s28] =	ssyncset.done $0x0  }
0x26: {  	[sflag:s28] =	ssyncadd.s32 $0xFFFFC000  }
.LBB2_1:
0x27: {  	s0 =	rddreg [dreg:$0x3]  }
0x28: {  	[tilespmem:s2], [sflag:$0xB] =	stream.linear.gather [hbm4b:s0+s2], $0x1900, $0x38;
	[tilespmem:$0x15900] =	vst v63  }
0x29: {  	_ =	swait.ge [sflag:s10], $0x1900  }
0x2a: {  	[sflag:s10] =	ssyncset.done $0x0  }
0x2b: {  	[sflag:s10] =	ssyncadd.s32 $0xFFFFE700  }
0x2c: {  	[tilespmem:s12], [sflag:$0x1] =	stream.indirect.gather [hbm4b:s3+s11], $0x80, s2, s11, $0xb8;
	[tilespmem:$0x15900] =	vst v63  }
0x2d: {  	s31 =	rddreg [dreg:$0x7]  }
0x2e: {  	[tilespmem:s13], [sflag:$0x2] =	stream.indirect.gather [hbm4b:s3+s11], $0x80, s11, s11, $0xb8;
	[tilespmem:$0x15900] =	vst v63  }
0x2f: {  	s14 =	simm.s32 $0x100;
	s7 =	rddreg [dreg:$0x6]  }
0x30: {  	[tilespmem:s15], [sflag:$0x3] =	stream.indirect.gather [hbm4b:s3+s11], $0x80, s14, s11, $0xb8;
	[tilespmem:$0x15900] =	vst v63  }
0x31: {  	s30 =	smov.u32 s9;
	s6 =	rddreg [dreg:$0x5];
	s14 =	simm.s32 $0x0  }
.LBB2_2:
0x32: {  	_ =	swait.ge [sflag:s16], $0x4000  }
0x33: {  	p0 =	seq.s32 s14, $0x0;
	[sflag:s16] =	ssyncset.done $0x0  }
0x34: {  	s5 =	simm.s32 @!p0 $0x9;
	[sflag:s16] =	ssyncadd.s32 $0xFFFFC000  }
0x35: {  	[hbm4b:s30+s2] =	stream.linear.scatter [tilespmem:s12], [sflag:$0x6], $0x4000, $0x38;
	[tilespmem:$0x15900] =	vst v63  }
0x36: {  	_ =	swait.ge @!p0 [sflag:s5], $0x4000  }
0x37: {  	s4 =	sshra.s32 s14, $0x2;
	[sflag:s5] =	ssyncset.done @!p0 $0x0  }
0x38: {  	s0 =	sadd.s32 $0x180, s4;
	[sflag:s5] =	ssyncadd.s32 @!p0 $0xFFFFC000  }
0x39: {  	[tilespmem:s17], [sflag:$0x4] =	stream.indirect.gather [hbm4b:s3+s11], $0x80, s0, s11, $0xb8;
	[tilespmem:$0x15900] =	vst v63  }
0x3a: {  	_ =	swait.ge [sflag:s18], $0x4000  }
0x3b: {  	[sflag:s18] =	ssyncset.done $0x0  }
0x3c: {  	s5 =	simm.s32 @!p0 $0xA;
	[sflag:s18] =	ssyncadd.s32 $0xFFFFC000  }
0x3d: {  	[hbm4b:s7+s2] =	stream.linear.scatter [tilespmem:s13], [sflag:$0x7], $0x4000, $0x38;
	[tilespmem:$0x15900] =	vst v63  }
0x3e: {  	_ =	swait.ge @!p0 [sflag:s5], $0x4000  }
0x3f: {  	[sflag:s5] =	ssyncset.done @!p0 $0x0  }
0x40: {  	s1 =	sadd.s32 $0x200, s4;
	[sflag:s5] =	ssyncadd.s32 @!p0 $0xFFFFC000  }
0x41: {  	[tilespmem:s19], [sflag:$0x5] =	stream.indirect.gather [hbm4b:s3+s11], $0x80, s1, s11, $0xb8;
	[tilespmem:$0x15900] =	vst v63  }
0x42: {  	_ =	swait.ge [sflag:s20], $0x4000  }
0x43: {  	p0 =	seq.s32 s14, $0x5A00;
	[sflag:s20] =	ssyncset.done $0x0  }
0x44: {  	s5 =	simm.s32 @!p0 $0x6;
	[sflag:s20] =	ssyncadd.s32 $0xFFFFC000  }
0x45: {  	[hbm4b:s6+s2] =	stream.linear.scatter [tilespmem:s15], [sflag:$0x8], $0x4000, $0x38;
	[tilespmem:$0x15900] =	vst v63  }
0x46: {  	_ =	swait.ge @!p0 [sflag:s5], $0x4000  }
0x47: {  	[sflag:s5] =	ssyncset.done @!p0 $0x0  }
0x48: {  	[sflag:s5] =	ssyncadd.s32 @!p0 $0xFFFFC000;
	s5 =	sshra.s32 @!p0 s14, $0x2  }
0x49: {  	s0 =	simm.s32 @!p0 $0x80;
	s8 =	simm.s32 @!p0 $0x1900;
	s1 =	sadd.s32 @!p0 $0x280, s5  }
0x4a: {  	[tilespmem:s8], [sflag:$0x1] =	stream.indirect.gather @!p0 [hbm4b:s3+s0], $0x80, s1, s0, $0xb8;
	[tilespmem:$0x15900] =	vst v63  }
0x4b: {  	_ =	swait.ge [sflag:s21], $0x4000  }
0x4c: {  	[sflag:s21] =	ssyncset.done $0x0  }
0x4d: {  	s8 =	sadd.s32 $0x800, s6;
	s1 =	simm.s32 @!p0 $0x7;
	[sflag:s21] =	ssyncadd.s32 $0xFFFFC000  }
0x4e: {  	[hbm4b:s8+s2] =	stream.linear.scatter [tilespmem:s17], [sflag:$0x9], $0x4000, $0x38;
	[tilespmem:$0x15900] =	vst v63  }
0x4f: {  	_ =	swait.ge @!p0 [sflag:s1], $0x4000  }
0x50: {  	[sflag:s1] =	ssyncset.done @!p0 $0x0  }
0x51: {  	[sflag:s1] =	ssyncadd.s32 @!p0 $0xFFFFC000;
	s1 =	sadd.s32 @!p0 $0x300, s5;
	s5 =	simm.s32 @!p0 $0x5900  }
0x52: {  	[tilespmem:s5], [sflag:$0x2] =	stream.indirect.gather @!p0 [hbm4b:s3+s0], $0x80, s1, s0, $0xb8;
	[tilespmem:$0x15900] =	vst v63  }
.Ltmp2:
0x53: {  	_ = 	snop;
	(pc) =	sbr.rel @p0 .LBB2_4-.Ltmp2, $4  }
0x54: {  	_ =	swait.ge [sflag:s22], $0x4000  }
0x55: {  	[sflag:s22] =	ssyncset.done $0x0  }
0x56: {  	[sflag:s22] =	ssyncadd.s32 $0xFFFFC000  }
0x57: {  	[hbm4b:s31+s2] =	stream.linear.scatter [tilespmem:s19], [sflag:$0xA], $0x4000, $0x38;
	[tilespmem:$0x15900] =	vst v63  }
.Ltmp3:
0x58: {  	(pc) =	sbr.rel .LBB2_2-.Ltmp3, $4  }
0x59: {  	_ =	swait.ge [sflag:s25], $0x4000;
	s0 =	sadd.s32 $0x380, s4;
	s14 =	sadd.s32 $0xA00, s14  }
0x5a: {  	s6 =	sadd.s32 $0x2800, s6;
	s7 =	sadd.s32 $0x2800, s7;
	[sflag:s25] =	ssyncset.done $0x0  }
0x5b: {  	s31 =	sadd.s32 $0x2800, s31;
	s30 =	sadd.s32 $0x2800, s30;
	[sflag:s25] =	ssyncadd.s32 $0xFFFFC000  }
0x5c: {  	[tilespmem:s15], [sflag:$0x3] =	stream.indirect.gather [hbm4b:s3+s11], $0x80, s0, s11, $0xb8;
	[tilespmem:$0x15900] =	vst v63  }
.LBB2_5:
0x5d: {  	_ =	sfence.sel $0x180000  }
0x5e: {  	[bflag:$0x0] =	sbarrier.arrive $0xFFFF  }
0x5f: {  	_ =	strace $0x90000047  }
0x60: {  	s0 =	stileid.u32;
	[bflag:$0x2] =	sbarrier.arrive $0xFFFF  }
0x61: {  	p0 =	sne.s32 s0, $0x0;
	s0 =	rddreg [dreg:$0x2]  }
0x62: {  	s0 =	sadd.s32 @!p0 $0x100000, s0  }
0x63: {  	[sflag:s0] =	ssyncadd.tile.s32 @!p0 $0x1;
	_ =	shalt  }
.Lfunc_end2:
_tile_overlayer_lowered:
.L_overlay_start_2:
0x64: {  	(tag) =	ssettag $0x2  }
0x65: {  	s0 =	rddreg [dreg:$0x0];
	s2 =	stileid.u32  }
0x66: {  	s1 =	rddreg [dreg:$0x1];
	p0 =	sne.s32 s2, $0x0  }
0x67: {  	s3 =	rddreg [dreg:$0x2];
	[bflag:$0x3] =	sbarrier.arrive $0xFFFF;
	s2 =	simm.s32 @!p0 $0x1C0B  }
0x68: {  	[timem:s3], [sflag:s2] =	dma.local @!p0 [hbm:s0], s1  }
0x69: {  	s0 =	simm.s32 @!p0 $0xB  }
0x6a: {  	_ =	swait.ge @!p0 [sflag:s0], s1  }
0x6b: {  	s1 =	ssub.s32 @!p0 $0x0, s1;
	[sflag:s0] =	ssyncset.done @!p0 $0x0  }
0x6c: {  	[sflag:s0] =	ssyncadd.s32 @!p0 s1  }
0x6d: {  	[bflag:$0x3] =	sbarrier.arrive $0xFFFF  }
0x6e: {  	_ =	shalt  }

// kernel: sparse-core-data-format-call.cloned.1.call-start
scs
called_computation_lowered:
.L_overlay_start_0:
0x0: {  	s2 =	sld [smem:$0x3FD9]  }
0x1: {  	s3 =	sld [smem:$0x3FFE];
	_ =	sdelay $0x1  }
0x2: {  	s1 =	srdreg.scid  }
0x3: {  	s0 =	sand.u32 $0x1, s1  }
0x4: {  	s18 =	sshll.u32 s0, $0xA;
	s2 =	sadd.s32 s3, s2  }
0x5: {  	s2 =	sadd.s32 s2, s18  }
0x6: {  	[smem:$0x3FC5] =	sst s2  }
0x7: {  	_ = 	snop  }
0x8: {  	s2 =	sld [smem:$0x3FD0];
	(tm) =	ssettm $0x1  }
0x9: {  	s19 =	sld [smem:$0x3FFB];
	_ =	sdelay $0x3  }
0xa: {  	_ =	strace s19  }
0xb: {  	s3 =	sld [smem:$0x3FFC];
	_ =	sdelay $0x3  }
0xc: {  	_ =	strace s3  }
0xd: {  	s3 =	sld [smem:$0x3FFD];
	_ =	sdelay $0x3  }
0xe: {  	_ =	strace s3  }
0xf: {  	_ =	strace $0x8FFFFFFF  }
0x10: {  	s20 =	sld [smem:$0x3FDB];
	_ =	sdelay $0x1  }
0x11: {  	s4 =	simm.s32 $_scs_section_size  }
0x12: {  	s5 =	simm.s32 $_size__tile_overlayer_lowered;
	s6 =	simm.s32 $_tile_overlayer_lowered  }
0x13: {  	s23 =	simm.s32 $0x1BFF;
	s22 =	sshll.u32 s6, $0x1;
	s3 =	sadd.s32 s4, s20  }
0x14: {  	s7 =	simm.s32 $0x0;
	s21 =	sshll.u32 s5, $0x1;
	s5 =	sadd.s32 s22, s3  }
0x15: {  	[timem:s7], [sflag:s23] =	dma.local [hbm:s5], s21  }
0x16: {  	_ =	swait.ge [sflag:s23], s21  }
0x17: {  	s4 =	ssub.s32 $0x0, s21;
	[sflag:s23] =	ssyncset.done $0x0  }
0x18: {  	[sflag:s23] =	ssyncadd.s32 s4;
	_ =	sdelay $0x1  }
0x19: {  	s24 =	simm.s32 $0x1B8B  }
0x1a: {  	_ =	swait.ge [sflag:s24], $0x1  }
0x1b: {  	[sflag:s24] =	ssyncset.done $0x0  }
0x1c: {  	s26 =	simm.s32 $0x1B8E;
	s25 =	sld [smem:$0x3FFE];
	[sflag:s24] =	ssyncadd.s32 $0xFFFFFFFF  }
0x1d: {  	s27 =	simm.s32 $execute0_lowered;
	[smem:$0x3FD2] =	sst s26  }
0x1e: {  	s5 =	sshll.u32 s27, $0x1;
	_ =	strace $0x80000049;
	[dreg:$0x1] =	wrdreg $0xFFFFFFFF  }
0x1f: {  	s28 =	simm.s32 $_size_execute0_lowered;
	s3 =	sadd.s32 s3, s5;
	[dreg:$0x0] =	wrdreg $0x0  }
0x20: {  	s5 =	sshll.u32 s28, $0x1;
	[dreg:$0x2] =	wrdreg s3  }
0x21: {  	[dreg:$0x3] =	wrdreg s5  }
0x22: {  	[dreg:$0x4] =	wrdreg $0xC0  }
0x23: {  	_ =	task [dreg:s7], $0x5FFFF  }
0x24: {  	[dreg:$0x1] =	wrdreg $0xFFFFFFFF  }
0x25: {  	[dreg:$0x0] =	wrdreg $0x60  }
0x26: {  	[dreg:$0x2] =	wrdreg s25  }
0x27: {  	[dreg:$0x3] =	wrdreg s2  }
0x28: {  	[dreg:$0x4] =	wrdreg $0x9  }
0x29: {  	_ =	task.clear_ibuf [dreg:s7], $0x5FFFF;
	_ =	strace $0x90000049  }
0x2a: {  	s29 =	simm.s32 $0x9;
	_ =	strace $0x8000004B  }
0x2b: {  	_ =	swait.ge [sflag:s29], $0x1  }
0x2c: {  	[sflag:s29] =	ssyncadd.s32 $0xFFFFFFFF  }
0x2d: {  	_ =	strace $0x9000004B  }
0x2e: {  	_ =	sfence  }
0x2f: {  	s30 =	sld [smem:$0x0];
	_ =	sdelay $0x2  }
0x30: {  	s31 =	sshll.u32 s1, $0xD;
	s1 =	sshrl.u32 s1, $0x2  }
0x31: {  	s3 =	sand.u32 $0x4000, s31;
	s1 =	sadd.s32 s1, s30  }
0x32: {  	s0 =	sor.u32 s3, s0;
	s1 =	sshll.u32 s1, $0x11  }
0x33: {  	s0 =	sor.u32 s1, s0  }
0x34: {  	s0 =	sadd.s32 $0x8F2B, s0  }
0x35: {  	[sflag:s0] =	ssyncadd.remote.s32 $0x1  }
0x36: {  	_ =	sfence.sel $0xFFFF  }
0x37: {  	[dreg:$0x0] =	wrdreg $0xFFFFFFFF;
	(pc) =	sbr.abs _section_cstart, $3  }
0x38: {  	[dreg:$0x1] =	wrdreg $0xFFFFFFFF  }
0x39: {  	_ =	task.clear_ibuf [dreg:s7], $0x2FFFF;
	_ =	strace $0x9FFFFFFF  }
0x3a: {  	(tm) =	ssettm $0x7FFFFFFF  }
0x3b: {  	_ =	shalt  }
tec
execute0_lowered:
.L_overlay_start_1:
0x0: {  	(tag) =	ssettag $0x1  }
0x1: {  	s0 =	stileid.u32;
	s6 =	rddreg [dreg:$0x0]  }
0x2: {  	s2 =	rddreg [dreg:$0x1];
	s5 =	srdreg.scid  }
0x3: {  	s31 =	simm.s32 $0x2;
	s13 =	simm.s32 $0x0;
	s1 =	sshll.u32 s0, $0x7  }
0x4: {  	s14 =	simm.s32 $0x0;
	s12 =	simm.s32 $0x0;
	s3 =	sand.u32 $0x380, s1  }
0x5: {  	s5 =	sshll.u32 s5, $0x4;
	s6 =	sadd.s32 $0xC00, s6;
	s4 =	ssub.s32 $0x400, s3  }
0x6: {  	s1 =	rddreg [dreg:$0x2];
	_ =	strace $0x8000004A;
	s7 =	sand.u32 $0x380, s4  }
0x7: {  	s5 =	sand.u32 $0x10, s5;
	p0 =	sne.s32 s7, $0x0;
	s7 =	simm.s32 $0x1  }
.Ltmp0:
0x8: {  	s8 =	sshrl.u32 s4, $0xA;
	s7 =	simm.s32 @!p0 $0x0;
	(pc) =	sbr.rel .LBB1_1-.Ltmp0, $4  }
0x9: {  	s9 =	sor.u32 s0, s5;
	s4 =	simm.s32 $0x1;
	s30 =	sadd.s32 s7, s8  }
0xa: {  	s11 =	smov.u32 s3;
	[sflag:s4] =	ssyncpa.u1 $0x0;
	s5 =	smul.u32 $0x32, s30  }
0xb: {  	[sflag:s31] =	ssyncpa.u1 $0x0;
	p0 =	por $0x0, $0x0;
	s7 =	sshrl.u32 s9, $0x3  }
0xc: {  	s9 =	simm.s32 $0x2000;
	s10 =	smov.u32 s7;
	s8 =	sor.u32 $0x1, s5  }
.LBB1_4:
0xd: {  	s17 =	sand.u32 $0x1F80, s14;
	s13 =	sshll.u32 s13, $0xD  }
0xe: {  	[tilespmem:s16+$0x810 ss:$0x81] =	vst.msk $0xffff, v2;
	s18 =	sshrl.u32 s14, $0x3;
	s31 =	sand.u32 $0x7, s14;
	s17 =	sadd.s32 s2, s17  }
0xf: {  	[tilespmem:s16+$0x1020 ss:$0x81] =	vst.msk $0xffff, v0;
	s18 =	sand.u32 $0xF, s18;
	s14 =	sshll.u32 s31, $0x12;
	s13 =	sadd.s32 s13, s17  }
0x10: {  	[tilespmem:s16+$0x0 ss:$0x81] =	vst.msk $0xffff, v1;
	s14 =	sor.u32 $0x400, s14;
	s13 =	sadd.s32 s18, s13  }
0x11: {  	[hbm4b:s13+s14] =	stream.strided.scatter [tilespmem:s15], [sflag:$0x2], $0x2000, s9, s14, $0x20;
	[tilespmem:$0x8080] =	vst v63  }
.LBB1_5:
0x12: {  	s15 =	sadd.s32 $0x4, s10  }
0x13: {  	s13 =	sadd.s32 $0x400, s11;
	s17 =	smov.u32 s11;
	p2 =	sgt.s32 s15, $0xC7  }
0x14: {  	s17 =	smov.u32 @p2 s13  }
0x15: {  	s15 =	smov.u32 @p2 s7;
	p2 =	sgt.s32 s17, $0x3FF  }
0x16: {  	s17 =	smov.u32 @p2 s3;
	p2 =	sne.s32 s12, s8  }
.Ltmp1:
0x17: {  	p1 =	slt.u32 s12, $0x2;
	(pc) =	sbr.rel @!p2 .LBB1_6-.Ltmp1, $4  }
0x18: {  	s16 =	simm.s32 @!p1 $0x2  }
0x19: {  	s14 =	smov.u32 s11;
	p0 =	por !p0, !p0;
	_ =	swait.ge @!p1 [sflag:s16], $0x2000  }
0x1a: {  	s13 =	smov.u32 s10;
	[sflag:s16] =	ssyncset.done @!p1 $0x0;
	s10 =	smov.u32 s15  }
0x1b: {  	s12 =	sadd.s32 $0x1, s12;
	[sflag:s16] =	ssyncadd.s32 @!p1 $0xFFFFE000;
	s11 =	smov.u32 s17  }
.LBB1_1:
0x1c: {  	p1 =	sge.u32 s12, s5  }
0x1d: {  	s15 =	sand.u32 @!p1 $0x1FFFFFF, s10  }
0x1e: {  	s16 =	smulhi.u32 @!p1 $0x147AE15, s15;
	_ =	sdelay $0x1  }
0x1f: {  	s16 =	smul.u32 @!p1 $0xC8, s16  }
0x20: {  	s17 =	sxor.u32 @!p1 $0xFFFFFFFF, s12;
	s18 =	smul.u32 @!p1 $0xC80, s11  }
0x21: {  	s31 =	sadd.s32 $0xFFFFFFFF, s12;
	s17 =	sshll.u32 @!p1 s17, $0xD;
	s15 =	ssub.s32 @!p1 s15, s16  }
0x22: {  	s16 =	sand.u32 @!p1 $0x2000, s17;
	s17 =	sadd.s32 @!p1 s6, s18;
	s15 =	sshll.u32 @!p1 s15, $0x4  }
0x23: {  	s18 =	simm.s32 @!p1 $0x6400;
	s15 =	sadd.s32 @!p1 s15, s17;
	s17 =	simm.s32 @!p1 $0x40  }
0x24: {  	[tilespmem:s16], [sflag:$0x1] =	stream.strided.gather @!p1 [hbm4b:s15+s17], $0x2000, s18, s17, $0x38;
	[tilespmem:$0x8080] =	vst v63  }
0x25: {  	p1 =	sge.u32 s31, s5  }
.Ltmp2:
0x26: {  	_ = 	snop;
	(pc) =	sbr.rel @p1 .LBB1_5-.Ltmp2, $1  }
0x27: {  	_ =	sdelay $0x3  }
0x28: {  	s15 =	simm.s32 $0x1  }
0x29: {  	_ =	swait.ge [sflag:s4], $0x2000;
	s15 =	simm.s32 @!p0 $0x0  }
0x2a: {  	[sflag:s4] =	ssyncset.done $0x0;
	s16 =	sshll.u32 s15, $0xD  }
0x2b: {  	[sflag:s4] =	ssyncadd.s32 $0xFFFFE000;
	s19 =	sor.u32 $0x20, s16  }
0x2c: {  	s15 =	smul.u32 $0x8100, s15;
	v3 =	vld [tilespmem:s19+$0x10]  }
0x2d: {  	s30 =	sand.u32 $0x1, s12;
	v2 =	vld [tilespmem:s19+$0xFFFFFFF0]  }
0x2e: {  	s16 =	smul.u32 $0x8100, s30;
	s15 =	sshrl.u32 s15, $0x2;
	v0 =	vld [tilespmem:s19+$0x0]  }
0x2f: {  	v1 =	vld [tilespmem:s19+$0xFFFFFFE0];
	s17 =	sor.u32 $0x4000, s15  }
0x30: {  	s31 =	sshrl.u32 s16, $0x2;
	s16 =	sadd.s32 $0x0, s17  }
0x31: {  	s18 =	simm.s32 $0x4;
	s19 =	sadd.s32 $0x40, s19;
	s15 =	sor.u32 $0x4000, s31;
	[tilespmem:s16+$0x1830 ss:$0x81] =	vst.msk $0xffff, v3  }
.LBB1_3:
0x32: {  	v3 =	vld [tilespmem:s19+$0x10];
	p1 =	sne.s32 s18, $0x1FC;
	[tilespmem:s16+$0x810 ss:$0x81] =	vst.msk $0xffff, v2;
	s20 =	smov.u32 s18;
	s18 =	sadd.s32 $0x4, s18  }
.Ltmp3:
0x33: {  	v2 =	vld [tilespmem:s19+$0xFFFFFFF0];
	[tilespmem:s16+$0x1020 ss:$0x81] =	vst.msk $0xffff, v0;
	(pc) =	sbr.rel @p1 .LBB1_3-.Ltmp3, $4  }
0x34: {  	v0 =	vld [tilespmem:s19+$0x0];
	[tilespmem:s16+$0x0 ss:$0x81] =	vst.msk $0xffff, v1  }
0x35: {  	s16 =	sshra.s32 s20, $0x2;
	v1 =	vld [tilespmem:s19+$0xFFFFFFE0]  }
0x36: {  	s16 =	sadd.s32 s16, s17  }
0x37: {  	s19 =	sadd.s32 $0x40, s19;
	[tilespmem:s16+$0x1830 ss:$0x81] =	vst.msk $0xffff, v3  }
.Ltmp4:
0x38: {  	_ = 	snop;
	(pc) =	sbr.rel .LBB1_4-.Ltmp4, $1  }
0x39: {  	_ =	sdelay $0x3  }
.LBB1_6:
0x3a: {  	_ =	sfence.sel $0x180000  }
0x3b: {  	s2 =	simm.s32 $0x1;
	[bflag:$0x0] =	sbarrier.arrive $0xFFFF  }
0x3c: {  	s31 =	simm.s32 $0x2;
	[sflag:s2] =	ssyncpa.u1 $0x1  }
0x3d: {  	[sflag:s31] =	ssyncpa.u1 $0x1  }
0x3e: {  	p0 =	sne.s32 s0, $0x0;
	_ =	strace $0x9000004A  }
0x3f: {  	s0 =	sadd.s32 @!p0 $0x100000, s1;
	[bflag:$0x2] =	sbarrier.arrive $0xFFFF  }
0x40: {  	[sflag:s0] =	ssyncadd.tile.s32 @!p0 $0x1;
	_ =	shalt  }
.Lfunc_end1:
_tile_overlayer_lowered:
.L_overlay_start_2:
0x41: {  	(tag) =	ssettag $0x2  }
0x42: {  	s0 =	rddreg [dreg:$0x0];
	s2 =	stileid.u32  }
0x43: {  	s1 =	rddreg [dreg:$0x1];
	p0 =	sne.s32 s2, $0x0  }
0x44: {  	s3 =	rddreg [dreg:$0x2];
	[bflag:$0x3] =	sbarrier.arrive $0xFFFF;
	s2 =	simm.s32 @!p0 $0x1C01  }
0x45: {  	[timem:s3], [sflag:s2] =	dma.local @!p0 [hbm:s0], s1  }
0x46: {  	s0 =	simm.s32 @!p0 $0x1  }
0x47: {  	_ =	swait.ge @!p0 [sflag:s0], s1  }
0x48: {  	s1 =	ssub.s32 @!p0 $0x0, s1;
	[sflag:s0] =	ssyncset.done @!p0 $0x0  }
0x49: {  	[sflag:s0] =	ssyncadd.s32 @!p0 s1  }
0x4a: {  	[bflag:$0x3] =	sbarrier.arrive $0xFFFF  }
0x4b: {  	_ =	shalt  }

</sc_bundles>
